<compile_context>
chip_gen: v7x
topology: tpu7x:2x2x1
jax: 0.10.2.dev20260603
libtpu: 0.0.44.dev20260713+nightly
codegen_flags: <defaults>
</compile_context>

<pallas_src>
import jax
import jax.numpy as jnp
from jax import lax
from jax.experimental import pallas as pl
from jax.experimental.pallas import tpu as pltpu

N_NODES = 512
N_EDGES = 8193
P = N_EDGES // 2
F = 64
T = 16
TF = T * F
PB = 256
NB = P // PB
NBUF = 2


def _silu(x):
    return x / (1.0 + jnp.exp(-x))


def _batched_mm(x, w):
    return lax.dot_general(
        x.astype(jnp.bfloat16), w.astype(jnp.bfloat16),
        (((2,), (1,)), ((0,), (0,))),
        preferred_element_type=jnp.float32)


def _body(dstA_ref, dstB_ref, srcA_ref, last_ref, hflat_ref,
          w0_hbm, w1_hbm, w2_hbm, b0_ref, b1_ref, b2_ref,
          wf0_ref, wf1_ref, wf2_ref, bf0_ref, bf1_ref, bf2_ref,
          z_ref, w0b, w1b, w2b, sems):
    z_ref[...] = jnp.zeros_like(z_ref)
    hflat = hflat_ref[...].astype(jnp.bfloat16)

    def issue(k, slot):
        pltpu.make_async_copy(w0_hbm.at[pl.ds(k * PB, PB)], w0b.at[slot],
                              sems.at[0, slot]).start()
        pltpu.make_async_copy(w1_hbm.at[pl.ds(k * PB, PB)], w1b.at[slot],
                              sems.at[1, slot]).start()
        pltpu.make_async_copy(w2_hbm.at[pl.ds(k * PB, PB)], w2b.at[slot],
                              sems.at[2, slot]).start()

    for k in range(NBUF):
        issue(k, k)

    def step(k, carry):
        slot = lax.rem(k, NBUF)
        pltpu.make_async_copy(w0_hbm.at[pl.ds(k * PB, PB)], w0b.at[slot],
                              sems.at[0, slot]).wait()
        pltpu.make_async_copy(w1_hbm.at[pl.ds(k * PB, PB)], w1b.at[slot],
                              sems.at[1, slot]).wait()
        pltpu.make_async_copy(w2_hbm.at[pl.ds(k * PB, PB)], w2b.at[slot],
                              sems.at[2, slot]).wait()

        dA = dstA_ref[:, pl.ds(k * PB, PB)]
        dB = dstB_ref[:, pl.ds(k * PB, PB)]
        sA = srcA_ref[:, pl.ds(k * PB, PB)]
        row = lax.broadcasted_iota(jnp.int32, (N_NODES, PB), 0)
        ohd = (row == dA).astype(jnp.bfloat16)
        ohs = (row == sA).astype(jnp.bfloat16)
        ohb = (row == dB).astype(jnp.bfloat16)

        xd = lax.dot_general(ohd, hflat, (((0,), (0,)), ((), ())),
                             preferred_element_type=jnp.float32)
        xs = lax.dot_general(ohs, hflat, (((0,), (0,)), ((), ())),
                             preferred_element_type=jnp.float32)
        xd3 = xd.reshape(PB, T, F)
        xs3 = xs.reshape(PB, T, F)

        w0 = w0b[slot].reshape(PB, 2 * F, F)
        w1 = w1b[slot].reshape(PB, F, F)
        w2 = w2b[slot].reshape(PB, F, F)
        b0 = b0_ref[pl.ds(k * PB, PB), :].reshape(PB, 1, F)
        b1 = b1_ref[pl.ds(k * PB, PB), :].reshape(PB, 1, F)
        b2 = b2_ref[pl.ds(k * PB, PB), :].reshape(PB, 1, F)
        e = _batched_mm(xd3, w0[:, :F, :]) + _batched_mm(xs3, w0[:, F:, :]) + b0
        e = _silu(e)
        e = _silu(_batched_mm(e, w1) + b1)
        eff = _batched_mm(e, w2) + b2
        effflat = eff.reshape(PB, TF)

        z_ref[...] += lax.dot_general(
            ohd - ohb, effflat.astype(jnp.bfloat16), (((1,), (0,)), ((), ())),
            preferred_element_type=jnp.float32)

        @pl.when(k + NBUF < NB)
        def _():
            issue(k + NBUF, slot)

        return carry

    lax.fori_loop(0, NB, step, 0)

    dl = last_ref[0]
    sl = last_ref[1]
    col = lax.broadcasted_iota(jnp.int32, (N_NODES, 1), 0)
    ohl_d = (col == dl).astype(jnp.bfloat16)
    ohl_s = (col == sl).astype(jnp.bfloat16)
    xl_d = lax.dot_general(ohl_d, hflat, (((0,), (0,)), ((), ())),
                           preferred_element_type=jnp.float32)
    xl_s = lax.dot_general(ohl_s, hflat, (((0,), (0,)), ((), ())),
                           preferred_element_type=jnp.float32)
    xl_d3 = xl_d.reshape(1, T, F)
    xl_s3 = xl_s.reshape(1, T, F)
    fe = (_batched_mm(xl_d3, wf0_ref[:, :F, :])
          + _batched_mm(xl_s3, wf0_ref[:, F:, :]) + bf0_ref[...])
    fe = _silu(fe)
    fe = _silu(_batched_mm(fe, wf1_ref[...]) + bf1_ref[...])
    fx = _batched_mm(fe, wf2_ref[...]) + bf2_ref[...]
    fxflat = fx.reshape(1, TF)
    z_ref[...] += lax.dot_general(
        ohl_d, fxflat.astype(jnp.bfloat16), (((1,), (0,)), ((), ())),
        preferred_element_type=jnp.float32)


def kernel(h, edge_src, edge_dst, Wi, Bi, Wf, Bf):
    hflat = jnp.transpose(h, (1, 0, 2)).reshape(N_NODES, TF)
    edge_src = edge_src.astype(jnp.int32)
    edge_dst = edge_dst.astype(jnp.int32)
    dstA = edge_dst[:P].reshape(1, P)
    dstB = edge_dst[P:2 * P].reshape(1, P)
    srcA = edge_src[:P].reshape(1, P)
    last = jnp.stack([edge_dst[2 * P], edge_src[2 * P]])

    w0, w1, w2 = Wi
    w0 = w0.reshape(P, 2 * F * F)
    w1 = w1.reshape(P, F * F)
    w2 = w2.reshape(P, F * F)
    b0, b1, b2 = Bi
    b0 = b0.reshape(P, F)
    b1 = b1.reshape(P, F)
    b2 = b2.reshape(P, F)
    wf0, wf1, wf2 = Wf
    bf0, bf1, bf2 = Bf

    vmem = pl.BlockSpec(memory_space=pltpu.MemorySpace.VMEM)
    hbm = pl.BlockSpec(memory_space=pltpu.MemorySpace.HBM)
    smem = pl.BlockSpec(memory_space=pltpu.MemorySpace.SMEM)

    z = pl.pallas_call(
        _body,
        in_specs=[
            vmem, vmem, vmem, smem, vmem,
            hbm, hbm, hbm, vmem, vmem, vmem,
            vmem, vmem, vmem, vmem, vmem, vmem,
        ],
        out_specs=vmem,
        out_shape=jax.ShapeDtypeStruct((N_NODES, TF), jnp.float32),
        compiler_params=pltpu.CompilerParams(
            vmem_limit_bytes=110 * 1024 * 1024),
        scratch_shapes=[
            pltpu.VMEM((NBUF, PB, 2 * F * F), jnp.float32),
            pltpu.VMEM((NBUF, PB, F * F), jnp.float32),
            pltpu.VMEM((NBUF, PB, F * F), jnp.float32),
            pltpu.SemaphoreType.DMA((3, NBUF)),
        ],
    )(dstA, dstB, srcA, last, hflat,
      w0, w1, w2, b0, b1, b2,
      wf0, wf1, wf2, bf0, bf1, bf2)

    return z.reshape(N_NODES, T, F).transpose(1, 0, 2)

# --- scband reference (transcript-rebuilt; emitter-appended) ---
"""Pipeline reference for scband-rel-mot-gnn-4114578669572 (READ-ONLY COPY).

The authoritative reference and input builder live on the scoring server;
editing this copy changes nothing except your own understanding.
"""

import jax, jax.numpy as jnp
import numpy as np

N_NODES = 512
N_EDGES = 8193  # 2*P + 1 (module requires odd edge count: P interactive pairs + 1 fixed edge)
P = N_EDGES // 2
IN_F = 64
OUT_F = 64
MLP_F = 64
MLP_LAYERS = 1
T = 16


def _xavier(key, shape):
    fan_in, fan_out = shape[-2], shape[-1]
    std = (2.0 / (fan_in + fan_out)) ** 0.5
    return std * jax.random.normal(key, shape, dtype=jnp.float32)


def setup_inputs(seed: int = 0):
    key = jax.random.key(seed)
    ks = jax.random.split(key, 16)
    h = jax.random.normal(ks[0], (T, N_NODES, IN_F), dtype=jnp.float32)
    edge_src = jax.random.randint(ks[1], (N_EDGES,), 0, N_NODES, dtype=jnp.int64 if jax.config.jax_enable_x64 else jnp.int32)
    edge_dst = jax.random.randint(ks[2], (N_EDGES,), 0, N_NODES, dtype=jnp.int64 if jax.config.jax_enable_x64 else jnp.int32)
    w_shapes = [(IN_F * 2, MLP_F)] + [(MLP_F, MLP_F)] * MLP_LAYERS + [(MLP_F, OUT_F)]
    Wi = [_xavier(ks[3 + i], (P,) + s) for i, s in enumerate(w_shapes)]
    Bi = [jnp.zeros((P, 1, s[-1]), dtype=jnp.float32) for s in w_shapes]
    Wf = [_xavier(ks[8 + i], (1,) + s) for i, s in enumerate(w_shapes)]
    Bf = [jnp.zeros((1, 1, s[-1]), dtype=jnp.float32) for s in w_shapes]
    return {"h": h, "edge_src": edge_src, "edge_dst": edge_dst, "Wi": Wi, "Bi": Bi, "Wf": Wf, "Bf": Bf}


def _silu(x):
    return x * jax.nn.sigmoid(x)


def _layer(hp, edge_src, edge_dst, Wi, Bi, Wf, Bf):
    # hp: [N, T, F] (node features after permute)
    e = jnp.concatenate([hp[edge_dst], hp[edge_src]], axis=-1)  # [E, T, 2F]
    eff = e[:N_EDGES // 2]  # [P, T, 2F]
    for w, b in zip(Wi[:-1], Bi[:-1]):
        eff = _silu(jnp.einsum('eti,eio->eto', eff, w) + b)
    eff = jnp.einsum('eti,eio->eto', eff, Wi[-1]) + Bi[-1]
    fx = e[-1:]  # [1, T, 2F]
    for w, b in zip(Wf[:-1], Bf[:-1]):
        fx = _silu(jnp.einsum('eti,eio->eto', fx, w) + b)
    fx = jnp.einsum('eti,eio->eto', fx, Wf[-1]) + Bf[-1]
    e_all = jnp.concatenate([eff, -eff, fx], axis=0)  # [E, T, OUT]
    z = jnp.zeros((N_NODES, e_all.shape[1], e_all.shape[2]), dtype=e_all.dtype)
    z = z.at[edge_dst].add(e_all)  # copy_e + sum reduce by dst
    return z


def reference(h, edge_src, edge_dst, Wi, Bi, Wf, Bf):
    hp = jnp.transpose(h, (1, 0, 2))  # [N, T, F]
    # n_layers = 1
    hp = _layer(hp, edge_src, edge_dst, Wi, Bi, Wf, Bf)
    return jnp.transpose(hp, (1, 0, 2))  # [T, N, OUT]

if __name__ == "__main__":
    import jax
    _d = setup_inputs()
    print(jax.jit(kernel)(*tuple(_d.values())))

</pallas_src>

<mosaic_0001>
module attributes {stable_mosaic.version = 14 : i64} {
  func.func @_body(%arg0: memref<1x4096xi32, #tpu.memory_space<vmem>>, %arg1: memref<1x4096xi32, #tpu.memory_space<vmem>>, %arg2: memref<1x4096xi32, #tpu.memory_space<vmem>>, %arg3: memref<2xi32, #tpu.memory_space<smem>>, %arg4: memref<512x1024xf32, #tpu.memory_space<vmem>>, %arg5: memref<4096x8192xf32, #tpu.memory_space<hbm>>, %arg6: memref<4096x4096xf32, #tpu.memory_space<hbm>>, %arg7: memref<4096x4096xf32, #tpu.memory_space<hbm>>, %arg8: memref<4096x64xf32, #tpu.memory_space<vmem>>, %arg9: memref<4096x64xf32, #tpu.memory_space<vmem>>, %arg10: memref<4096x64xf32, #tpu.memory_space<vmem>>, %arg11: memref<1x128x64xf32, #tpu.memory_space<vmem>>, %arg12: memref<1x64x64xf32, #tpu.memory_space<vmem>>, %arg13: memref<1x64x64xf32, #tpu.memory_space<vmem>>, %arg14: memref<1x1x64xf32, #tpu.memory_space<vmem>>, %arg15: memref<1x1x64xf32, #tpu.memory_space<vmem>>, %arg16: memref<1x1x64xf32, #tpu.memory_space<vmem>>, %arg17: memref<512x1024xf32, #tpu.memory_space<vmem>>, %arg18: memref<2x256x8192xf32, #tpu.memory_space<vmem>>, %arg19: memref<2x256x4096xf32, #tpu.memory_space<vmem>>, %arg20: memref<2x256x4096xf32, #tpu.memory_space<vmem>>, %arg21: memref<3x2x!tpu.dma_semaphore, #tpu.memory_space<semaphore_mem>>) attributes {dimension_semantics = [], scalar_prefetch = 0 : i64, scratch_operands = 4 : i64, tpu.core_type = #tpu.core_type<tc>} {
    %broadcast_in_dim3A = arith.constant 0.000000e+00 : f32
    %broadcast_in_dim3A_0 = vector.broadcast %broadcast_in_dim3A : f32 to vector<512x1024xf32>
    %swap3A = arith.constant 0 : index
    %swap3A_1 = arith.constant 0 : index
    %swap3A_2 = vector.load %arg17[%swap3A, %swap3A_1] : memref<512x1024xf32, #tpu.memory_space<vmem>>, vector<512x1024xf32>
    tpu.vector_store %arg17[%swap3A, %swap3A_1], %broadcast_in_dim3A_0 {strides = array<i32>} : memref<512x1024xf32, #tpu.memory_space<vmem>>, vector<512x1024xf32>,
    %get3A = arith.constant 0 : index
    %get3A_3 = arith.constant 0 : index
    %get3A_4 = vector.load %arg4[%get3A, %get3A_3] : memref<512x1024xf32, #tpu.memory_space<vmem>>, vector<512x1024xf32>
    %convert_element_type3A = arith.truncf %get3A_4 : vector<512x1024xf32> to vector<512x1024xbf16>
    %dma_start3A = arith.constant 0 : i32
    %dma_start3A_5 = arith.constant 0 : i32
    %dma_start3A_6 = arith.constant 0 : i32
    %dma_start3A_7 = tpu.memref_slice %arg21[%dma_start3A_5, %dma_start3A_6] : memref<3x2x!tpu.dma_semaphore, #tpu.memory_space<semaphore_mem>> -> memref<1x1x!tpu.dma_semaphore, #tpu.memory_space<semaphore_mem>>
    %dma_start3A_8 = tpu.memref_squeeze %dma_start3A_7 : memref<1x1x!tpu.dma_semaphore, #tpu.memory_space<semaphore_mem>> -> memref<!tpu.dma_semaphore, #tpu.memory_space<semaphore_mem>>
    %dma_start3A_9 = arith.constant 0 : i32
    %dma_start3A_10 = arith.constant 0 : i32
    %dma_start3A_11 = tpu.memref_slice %arg18[%dma_start3A, %dma_start3A_9, %dma_start3A_10] : memref<2x256x8192xf32, #tpu.memory_space<vmem>> -> memref<1x256x8192xf32, #tpu.memory_space<vmem>>
    %dma_start3A_12 = tpu.memref_squeeze %dma_start3A_11 : memref<1x256x8192xf32, #tpu.memory_space<vmem>> -> memref<256x8192xf32, #tpu.memory_space<vmem>>
    %dma_start3A_13 = arith.constant 0 : i32
    %dma_start3A_14 = arith.constant 0 : i32
    %dma_start3A_15 = tpu.memref_slice %arg5[%dma_start3A_13, %dma_start3A_14] : memref<4096x8192xf32, #tpu.memory_space<hbm>> -> memref<256x8192xf32, #tpu.memory_space<hbm>>
    tpu.enqueue_dma source(%dma_start3A_15 : memref<256x8192xf32, #tpu.memory_space<hbm>>) target(%dma_start3A_12 : memref<256x8192xf32, #tpu.memory_space<vmem>>) target_semaphore(%dma_start3A_8 : memref<!tpu.dma_semaphore, #tpu.memory_space<semaphore_mem>>)
    %dma_start3A_16 = arith.constant 0 : i32
    %dma_start3A_17 = arith.constant 1 : i32
    %dma_start3A_18 = arith.constant 0 : i32
    %dma_start3A_19 = tpu.memref_slice %arg21[%dma_start3A_17, %dma_start3A_18] : memref<3x2x!tpu.dma_semaphore, #tpu.memory_space<semaphore_mem>> -> memref<1x1x!tpu.dma_semaphore, #tpu.memory_space<semaphore_mem>>
    %dma_start3A_20 = tpu.memref_squeeze %dma_start3A_19 : memref<1x1x!tpu.dma_semaphore, #tpu.memory_space<semaphore_mem>> -> memref<!tpu.dma_semaphore, #tpu.memory_space<semaphore_mem>>
    %dma_start3A_21 = arith.constant 0 : i32
    %dma_start3A_22 = arith.constant 0 : i32
    %dma_start3A_23 = tpu.memref_slice %arg19[%dma_start3A_16, %dma_start3A_21, %dma_start3A_22] : memref<2x256x4096xf32, #tpu.memory_space<vmem>> -> memref<1x256x4096xf32, #tpu.memory_space<vmem>>
    %dma_start3A_24 = tpu.memref_squeeze %dma_start3A_23 : memref<1x256x4096xf32, #tpu.memory_space<vmem>> -> memref<256x4096xf32, #tpu.memory_space<vmem>>
    %dma_start3A_25 = arith.constant 0 : i32
    %dma_start3A_26 = arith.constant 0 : i32
    %dma_start3A_27 = tpu.memref_slice %arg6[%dma_start3A_25, %dma_start3A_26] : memref<4096x4096xf32, #tpu.memory_space<hbm>> -> memref<256x4096xf32, #tpu.memory_space<hbm>>
    tpu.enqueue_dma source(%dma_start3A_27 : memref<256x4096xf32, #tpu.memory_space<hbm>>) target(%dma_start3A_24 : memref<256x4096xf32, #tpu.memory_space<vmem>>) target_semaphore(%dma_start3A_20 : memref<!tpu.dma_semaphore, #tpu.memory_space<semaphore_mem>>)
    %dma_start3A_28 = arith.constant 0 : i32
    %dma_start3A_29 = arith.constant 2 : i32
    %dma_start3A_30 = arith.constant 0 : i32
    %dma_start3A_31 = tpu.memref_slice %arg21[%dma_start3A_29, %dma_start3A_30] : memref<3x2x!tpu.dma_semaphore, #tpu.memory_space<semaphore_mem>> -> memref<1x1x!tpu.dma_semaphore, #tpu.memory_space<semaphore_mem>>
    %dma_start3A_32 = tpu.memref_squeeze %dma_start3A_31 : memref<1x1x!tpu.dma_semaphore, #tpu.memory_space<semaphore_mem>> -> memref<!tpu.dma_semaphore, #tpu.memory_space<semaphore_mem>>
    %dma_start3A_33 = arith.constant 0 : i32
    %dma_start3A_34 = arith.constant 0 : i32
    %dma_start3A_35 = tpu.memref_slice %arg20[%dma_start3A_28, %dma_start3A_33, %dma_start3A_34] : memref<2x256x4096xf32, #tpu.memory_space<vmem>> -> memref<1x256x4096xf32, #tpu.memory_space<vmem>>
    %dma_start3A_36 = tpu.memref_squeeze %dma_start3A_35 : memref<1x256x4096xf32, #tpu.memory_space<vmem>> -> memref<256x4096xf32, #tpu.memory_space<vmem>>
    %dma_start3A_37 = arith.constant 0 : i32
    %dma_start3A_38 = arith.constant 0 : i32
    %dma_start3A_39 = tpu.memref_slice %arg7[%dma_start3A_37, %dma_start3A_38] : memref<4096x4096xf32, #tpu.memory_space<hbm>> -> memref<256x4096xf32, #tpu.memory_space<hbm>>
    tpu.enqueue_dma source(%dma_start3A_39 : memref<256x4096xf32, #tpu.memory_space<hbm>>) target(%dma_start3A_36 : memref<256x4096xf32, #tpu.memory_space<vmem>>) target_semaphore(%dma_start3A_32 : memref<!tpu.dma_semaphore, #tpu.memory_space<semaphore_mem>>)
    %dma_start3A_40 = arith.constant 1 : i32
    %dma_start3A_41 = arith.constant 0 : i32
    %dma_start3A_42 = arith.constant 1 : i32
    %dma_start3A_43 = tpu.memref_slice %arg21[%dma_start3A_41, %dma_start3A_42] : memref<3x2x!tpu.dma_semaphore, #tpu.memory_space<semaphore_mem>> -> memref<1x1x!tpu.dma_semaphore, #tpu.memory_space<semaphore_mem>>
    %dma_start3A_44 = tpu.memref_squeeze %dma_start3A_43 : memref<1x1x!tpu.dma_semaphore, #tpu.memory_space<semaphore_mem>> -> memref<!tpu.dma_semaphore, #tpu.memory_space<semaphore_mem>>
    %dma_start3A_45 = arith.constant 0 : i32
    %dma_start3A_46 = arith.constant 0 : i32
    %dma_start3A_47 = tpu.memref_slice %arg18[%dma_start3A_40, %dma_start3A_45, %dma_start3A_46] : memref<2x256x8192xf32, #tpu.memory_space<vmem>> -> memref<1x256x8192xf32, #tpu.memory_space<vmem>>
    %dma_start3A_48 = tpu.memref_squeeze %dma_start3A_47 : memref<1x256x8192xf32, #tpu.memory_space<vmem>> -> memref<256x8192xf32, #tpu.memory_space<vmem>>
    %dma_start3A_49 = arith.constant 256 : i32
    %dma_start3A_50 = arith.constant 0 : i32
    %dma_start3A_51 = tpu.memref_slice %arg5[%dma_start3A_49, %dma_start3A_50] : memref<4096x8192xf32, #tpu.memory_space<hbm>> -> memref<256x8192xf32, #tpu.memory_space<hbm>>
    tpu.enqueue_dma source(%dma_start3A_51 : memref<256x8192xf32, #tpu.memory_space<hbm>>) target(%dma_start3A_48 : memref<256x8192xf32, #tpu.memory_space<vmem>>) target_semaphore(%dma_start3A_44 : memref<!tpu.dma_semaphore, #tpu.memory_space<semaphore_mem>>)
    %dma_start3A_52 = arith.constant 1 : i32
    %dma_start3A_53 = arith.constant 1 : i32
    %dma_start3A_54 = arith.constant 1 : i32
    %dma_start3A_55 = tpu.memref_slice %arg21[%dma_start3A_53, %dma_start3A_54] : memref<3x2x!tpu.dma_semaphore, #tpu.memory_space<semaphore_mem>> -> memref<1x1x!tpu.dma_semaphore, #tpu.memory_space<semaphore_mem>>
    %dma_start3A_56 = tpu.memref_squeeze %dma_start3A_55 : memref<1x1x!tpu.dma_semaphore, #tpu.memory_space<semaphore_mem>> -> memref<!tpu.dma_semaphore, #tpu.memory_space<semaphore_mem>>
    %dma_start3A_57 = arith.constant 0 : i32
    %dma_start3A_58 = arith.constant 0 : i32
    %dma_start3A_59 = tpu.memref_slice %arg19[%dma_start3A_52, %dma_start3A_57, %dma_start3A_58] : memref<2x256x4096xf32, #tpu.memory_space<vmem>> -> memref<1x256x4096xf32, #tpu.memory_space<vmem>>
    %dma_start3A_60 = tpu.memref_squeeze %dma_start3A_59 : memref<1x256x4096xf32, #tpu.memory_space<vmem>> -> memref<256x4096xf32, #tpu.memory_space<vmem>>
    %dma_start3A_61 = arith.constant 256 : i32
    %dma_start3A_62 = arith.constant 0 : i32
    %dma_start3A_63 = tpu.memref_slice %arg6[%dma_start3A_61, %dma_start3A_62] : memref<4096x4096xf32, #tpu.memory_space<hbm>> -> memref<256x4096xf32, #tpu.memory_space<hbm>>
    tpu.enqueue_dma source(%dma_start3A_63 : memref<256x4096xf32, #tpu.memory_space<hbm>>) target(%dma_start3A_60 : memref<256x4096xf32, #tpu.memory_space<vmem>>) target_semaphore(%dma_start3A_56 : memref<!tpu.dma_semaphore, #tpu.memory_space<semaphore_mem>>)
    %dma_start3A_64 = arith.constant 1 : i32
    %dma_start3A_65 = arith.constant 2 : i32
    %dma_start3A_66 = arith.constant 1 : i32
    %dma_start3A_67 = tpu.memref_slice %arg21[%dma_start3A_65, %dma_start3A_66] : memref<3x2x!tpu.dma_semaphore, #tpu.memory_space<semaphore_mem>> -> memref<1x1x!tpu.dma_semaphore, #tpu.memory_space<semaphore_mem>>
    %dma_start3A_68 = tpu.memref_squeeze %dma_start3A_67 : memref<1x1x!tpu.dma_semaphore, #tpu.memory_space<semaphore_mem>> -> memref<!tpu.dma_semaphore, #tpu.memory_space<semaphore_mem>>
    %dma_start3A_69 = arith.constant 0 : i32
    %dma_start3A_70 = arith.constant 0 : i32
    %dma_start3A_71 = tpu.memref_slice %arg20[%dma_start3A_64, %dma_start3A_69, %dma_start3A_70] : memref<2x256x4096xf32, #tpu.memory_space<vmem>> -> memref<1x256x4096xf32, #tpu.memory_space<vmem>>
    %dma_start3A_72 = tpu.memref_squeeze %dma_start3A_71 : memref<1x256x4096xf32, #tpu.memory_space<vmem>> -> memref<256x4096xf32, #tpu.memory_space<vmem>>
    %dma_start3A_73 = arith.constant 256 : i32
    %dma_start3A_74 = arith.constant 0 : i32
    %dma_start3A_75 = tpu.memref_slice %arg7[%dma_start3A_73, %dma_start3A_74] : memref<4096x4096xf32, #tpu.memory_space<hbm>> -> memref<256x4096xf32, #tpu.memory_space<hbm>>
    tpu.enqueue_dma source(%dma_start3A_75 : memref<256x4096xf32, #tpu.memory_space<hbm>>) target(%dma_start3A_72 : memref<256x4096xf32, #tpu.memory_space<vmem>>) target_semaphore(%dma_start3A_68 : memref<!tpu.dma_semaphore, #tpu.memory_space<semaphore_mem>>)
    %scan3A = arith.constant 0 : i32
    %scan3A_76 = arith.constant 16 : i32
    %scan3A_77 = arith.addi %scan3A, %scan3A_76 : i32
    %scan3A_78 = arith.constant 1 : i32
    scf.for %scan3A_170 = %scan3A to %scan3A_77 step %scan3A_78  : i32 {
      %rem3A = arith.constant 2 : i32
      %rem3A_171 = arith.remsi %scan3A_170, %rem3A : i32
      %mul3A_172 = arith.constant 256 : i32
      %mul3A_173 = arith.muli %scan3A_170, %mul3A_172 : i32
      %dma_wait3A = arith.constant 0 : i32
      %dma_wait3A_174 = tpu.memref_slice %arg21[%dma_wait3A, %rem3A_171] : memref<3x2x!tpu.dma_semaphore, #tpu.memory_space<semaphore_mem>> -> memref<1x1x!tpu.dma_semaphore, #tpu.memory_space<semaphore_mem>>
      %dma_wait3A_175 = tpu.memref_squeeze %dma_wait3A_174 : memref<1x1x!tpu.dma_semaphore, #tpu.memory_space<semaphore_mem>> -> memref<!tpu.dma_semaphore, #tpu.memory_space<semaphore_mem>>
      %dma_wait3A_176 = arith.constant 0 : i32
      %dma_wait3A_177 = arith.constant 0 : i32
      %dma_wait3A_178 = tpu.memref_slice %arg18[%rem3A_171, %dma_wait3A_176, %dma_wait3A_177] : memref<2x256x8192xf32, #tpu.memory_space<vmem>> -> memref<1x256x8192xf32, #tpu.memory_space<vmem>>
      %dma_wait3A_179 = tpu.memref_squeeze %dma_wait3A_178 : memref<1x256x8192xf32, #tpu.memory_space<vmem>> -> memref<256x8192xf32, #tpu.memory_space<vmem>>
      %dma_wait3A_180 = arith.constant 0 : i32
      %dma_wait3A_181 = tpu.memref_slice %arg5[%mul3A_173, %dma_wait3A_180] : memref<4096x8192xf32, #tpu.memory_space<hbm>> -> memref<256x8192xf32, #tpu.memory_space<hbm>>
      tpu.wait_dma2 semaphore(%dma_wait3A_175 : memref<!tpu.dma_semaphore, #tpu.memory_space<semaphore_mem>>) src(%dma_wait3A_181 : memref<256x8192xf32, #tpu.memory_space<hbm>>) dst(%dma_wait3A_179 : memref<256x8192xf32, #tpu.memory_space<vmem>>)
      %mul3A_182 = arith.constant 256 : i32
      %mul3A_183 = arith.muli %scan3A_170, %mul3A_182 : i32
      %dma_wait3A_184 = arith.constant 1 : i32
      %dma_wait3A_185 = tpu.memref_slice %arg21[%dma_wait3A_184, %rem3A_171] : memref<3x2x!tpu.dma_semaphore, #tpu.memory_space<semaphore_mem>> -> memref<1x1x!tpu.dma_semaphore, #tpu.memory_space<semaphore_mem>>
      %dma_wait3A_186 = tpu.memref_squeeze %dma_wait3A_185 : memref<1x1x!tpu.dma_semaphore, #tpu.memory_space<semaphore_mem>> -> memref<!tpu.dma_semaphore, #tpu.memory_space<semaphore_mem>>
      %dma_wait3A_187 = arith.constant 0 : i32
      %dma_wait3A_188 = arith.constant 0 : i32
      %dma_wait3A_189 = tpu.memref_slice %arg19[%rem3A_171, %dma_wait3A_187, %dma_wait3A_188] : memref<2x256x4096xf32, #tpu.memory_space<vmem>> -> memref<1x256x4096xf32, #tpu.memory_space<vmem>>
      %dma_wait3A_190 = tpu.memref_squeeze %dma_wait3A_189 : memref<1x256x4096xf32, #tpu.memory_space<vmem>> -> memref<256x4096xf32, #tpu.memory_space<vmem>>
      %dma_wait3A_191 = arith.constant 0 : i32
      %dma_wait3A_192 = tpu.memref_slice %arg6[%mul3A_183, %dma_wait3A_191] : memref<4096x4096xf32, #tpu.memory_space<hbm>> -> memref<256x4096xf32, #tpu.memory_space<hbm>>
      tpu.wait_dma2 semaphore(%dma_wait3A_186 : memref<!tpu.dma_semaphore, #tpu.memory_space<semaphore_mem>>) src(%dma_wait3A_192 : memref<256x4096xf32, #tpu.memory_space<hbm>>) dst(%dma_wait3A_190 : memref<256x4096xf32, #tpu.memory_space<vmem>>)
      %mul3A_193 = arith.constant 256 : i32
      %mul3A_194 = arith.muli %scan3A_170, %mul3A_193 : i32
      %dma_wait3A_195 = arith.constant 2 : i32
      %dma_wait3A_196 = tpu.memref_slice %arg21[%dma_wait3A_195, %rem3A_171] : memref<3x2x!tpu.dma_semaphore, #tpu.memory_space<semaphore_mem>> -> memref<1x1x!tpu.dma_semaphore, #tpu.memory_space<semaphore_mem>>
      %dma_wait3A_197 = tpu.memref_squeeze %dma_wait3A_196 : memref<1x1x!tpu.dma_semaphore, #tpu.memory_space<semaphore_mem>> -> memref<!tpu.dma_semaphore, #tpu.memory_space<semaphore_mem>>
      %dma_wait3A_198 = arith.constant 0 : i32
      %dma_wait3A_199 = arith.constant 0 : i32
      %dma_wait3A_200 = tpu.memref_slice %arg20[%rem3A_171, %dma_wait3A_198, %dma_wait3A_199] : memref<2x256x4096xf32, #tpu.memory_space<vmem>> -> memref<1x256x4096xf32, #tpu.memory_space<vmem>>
      %dma_wait3A_201 = tpu.memref_squeeze %dma_wait3A_200 : memref<1x256x4096xf32, #tpu.memory_space<vmem>> -> memref<256x4096xf32, #tpu.memory_space<vmem>>
      %dma_wait3A_202 = arith.constant 0 : i32
      %dma_wait3A_203 = tpu.memref_slice %arg7[%mul3A_194, %dma_wait3A_202] : memref<4096x4096xf32, #tpu.memory_space<hbm>> -> memref<256x4096xf32, #tpu.memory_space<hbm>>
      tpu.wait_dma2 semaphore(%dma_wait3A_197 : memref<!tpu.dma_semaphore, #tpu.memory_space<semaphore_mem>>) src(%dma_wait3A_203 : memref<256x4096xf32, #tpu.memory_space<hbm>>) dst(%dma_wait3A_201 : memref<256x4096xf32, #tpu.memory_space<vmem>>)
      %mul3A_204 = arith.constant 256 : i32
      %mul3A_205 = arith.muli %scan3A_170, %mul3A_204 : i32
      %get3A_206 = arith.constant 0 : index
      %get3A_207 = arith.index_cast %mul3A_205 : i32 to index
      %get3A_208 = vector.load %arg0[%get3A_206, %get3A_207] : memref<1x4096xi32, #tpu.memory_space<vmem>>, vector<1x256xi32>
      %mul3A_209 = arith.constant 256 : i32
      %mul3A_210 = arith.muli %scan3A_170, %mul3A_209 : i32
      %get3A_211 = arith.constant 0 : index
      %get3A_212 = arith.index_cast %mul3A_210 : i32 to index
      %get3A_213 = vector.load %arg1[%get3A_211, %get3A_212] : memref<1x4096xi32, #tpu.memory_space<vmem>>, vector<1x256xi32>
      %mul3A_214 = arith.constant 256 : i32
      %mul3A_215 = arith.muli %scan3A_170, %mul3A_214 : i32
      %get3A_216 = arith.constant 0 : index
      %get3A_217 = arith.index_cast %mul3A_215 : i32 to index
      %get3A_218 = vector.load %arg2[%get3A_216, %get3A_217] : memref<1x4096xi32, #tpu.memory_space<vmem>>, vector<1x256xi32>
      %iota3A_219 = tpu.iota {dimensions = array<i32: 0>} : vector<512x256xi32>
      %eq3A_220 = vector.broadcast %get3A_208 : vector<1x256xi32> to vector<512x256xi32>
      %eq3A_221 = arith.cmpi eq, %iota3A_219, %eq3A_220 : vector<512x256xi32>
      %convert_element_type3A_222 = arith.extui %eq3A_221 : vector<512x256xi1> to vector<512x256xi32>
      %convert_element_type3A_223 = arith.sitofp %convert_element_type3A_222 : vector<512x256xi32> to vector<512x256xf32>
      %convert_element_type3A_224 = arith.truncf %convert_element_type3A_223 : vector<512x256xf32> to vector<512x256xbf16>
      %eq3A_225 = vector.broadcast %get3A_218 : vector<1x256xi32> to vector<512x256xi32>
      %eq3A_226 = arith.cmpi eq, %iota3A_219, %eq3A_225 : vector<512x256xi32>
      %convert_element_type3A_227 = arith.extui %eq3A_226 : vector<512x256xi1> to vector<512x256xi32>
      %convert_element_type3A_228 = arith.sitofp %convert_element_type3A_227 : vector<512x256xi32> to vector<512x256xf32>
      %convert_element_type3A_229 = arith.truncf %convert_element_type3A_228 : vector<512x256xf32> to vector<512x256xbf16>
      %eq3A_230 = vector.broadcast %get3A_213 : vector<1x256xi32> to vector<512x256xi32>
      %eq3A_231 = arith.cmpi eq, %iota3A_219, %eq3A_230 : vector<512x256xi32>
      %convert_element_type3A_232 = arith.extui %eq3A_231 : vector<512x256xi1> to vector<512x256xi32>
      %convert_element_type3A_233 = arith.sitofp %convert_element_type3A_232 : vector<512x256xi32> to vector<512x256xf32>
      %convert_element_type3A_234 = arith.truncf %convert_element_type3A_233 : vector<512x256xf32> to vector<512x256xbf16>
      %dot_general3A_235 = arith.constant dense<0.000000e+00> : vector<256x1024xf32>
      %dot_general3A_236 = tpu.matmul %convert_element_type3A_224, %convert_element_type3A, %dot_general3A_235 {dimension_numbers = #tpu.dot_dimension_numbers<[0], [0], [1], [1], [0, 1, 1, 1], [], []>, transpose_lhs_hint = false} : vector<512x256xbf16>, vector<512x1024xbf16>, vector<256x1024xf32> -> vector<256x1024xf32>
      %dot_general3A_237 = arith.constant dense<0.000000e+00> : vector<256x1024xf32>
      %dot_general3A_238 = tpu.matmul %convert_element_type3A_229, %convert_element_type3A, %dot_general3A_237 {dimension_numbers = #tpu.dot_dimension_numbers<[0], [0], [1], [1], [0, 1, 1, 1], [], []>, transpose_lhs_hint = false} : vector<512x256xbf16>, vector<512x1024xbf16>, vector<256x1024xf32> -> vector<256x1024xf32>
      %reshape3A_239 = vector.shape_cast %dot_general3A_236 : vector<256x1024xf32> to vector<256x16x64xf32>
      %reshape3A_240 = vector.shape_cast %dot_general3A_238 : vector<256x1024xf32> to vector<256x16x64xf32>
      %get3A_241 = arith.index_cast %rem3A_171 : i32 to index
      %get3A_242 = arith.constant 0 : index
      %get3A_243 = arith.constant 0 : index
      %get3A_244 = vector.load %arg18[%get3A_241, %get3A_242, %get3A_243] : memref<2x256x8192xf32, #tpu.memory_space<vmem>>, vector<1x256x8192xf32>
      %get3A_245 = vector.shape_cast %get3A_244 : vector<1x256x8192xf32> to vector<256x8192xf32>
      %reshape3A_246 = vector.shape_cast %get3A_245 : vector<256x8192xf32> to vector<256x128x64xf32>
      %get3A_247 = arith.index_cast %rem3A_171 : i32 to index
      %get3A_248 = arith.constant 0 : index
      %get3A_249 = arith.constant 0 : index
      %get3A_250 = vector.load %arg19[%get3A_247, %get3A_248, %get3A_249] : memref<2x256x4096xf32, #tpu.memory_space<vmem>>, vector<1x256x4096xf32>
      %get3A_251 = vector.shape_cast %get3A_250 : vector<1x256x4096xf32> to vector<256x4096xf32>
      %reshape3A_252 = vector.shape_cast %get3A_251 : vector<256x4096xf32> to vector<256x64x64xf32>
      %get3A_253 = arith.index_cast %rem3A_171 : i32 to index
      %get3A_254 = arith.constant 0 : index
      %get3A_255 = arith.constant 0 : index
      %get3A_256 = vector.load %arg20[%get3A_253, %get3A_254, %get3A_255] : memref<2x256x4096xf32, #tpu.memory_space<vmem>>, vector<1x256x4096xf32>
      %get3A_257 = vector.shape_cast %get3A_256 : vector<1x256x4096xf32> to vector<256x4096xf32>
      %reshape3A_258 = vector.shape_cast %get3A_257 : vector<256x4096xf32> to vector<256x64x64xf32>
      %mul3A_259 = arith.constant 256 : i32
      %mul3A_260 = arith.muli %scan3A_170, %mul3A_259 : i32
      %get3A_261 = arith.index_cast %mul3A_260 : i32 to index
      %get3A_262 = arith.constant 0 : index
      %get3A_263 = vector.load %arg8[%get3A_261, %get3A_262] : memref<4096x64xf32, #tpu.memory_space<vmem>>, vector<256x64xf32>
      %reshape3A_264 = vector.shape_cast %get3A_263 : vector<256x64xf32> to vector<256x1x64xf32>
      %mul3A_265 = arith.constant 256 : i32
      %mul3A_266 = arith.muli %scan3A_170, %mul3A_265 : i32
      %get3A_267 = arith.index_cast %mul3A_266 : i32 to index
      %get3A_268 = arith.constant 0 : index
      %get3A_269 = vector.load %arg9[%get3A_267, %get3A_268] : memref<4096x64xf32, #tpu.memory_space<vmem>>, vector<256x64xf32>
      %reshape3A_270 = vector.shape_cast %get3A_269 : vector<256x64xf32> to vector<256x1x64xf32>
      %mul3A_271 = arith.constant 256 : i32
      %mul3A_272 = arith.muli %scan3A_170, %mul3A_271 : i32
      %get3A_273 = arith.index_cast %mul3A_272 : i32 to index
      %get3A_274 = arith.constant 0 : index
      %get3A_275 = vector.load %arg10[%get3A_273, %get3A_274] : memref<4096x64xf32, #tpu.memory_space<vmem>>, vector<256x64xf32>
      %reshape3A_276 = vector.shape_cast %get3A_275 : vector<256x64xf32> to vector<256x1x64xf32>
      %slice3A = vector.extract_strided_slice %reshape3A_246 {offsets = [0, 0, 0], sizes = [256, 64, 64], strides = [1, 1, 1]} : vector<256x128x64xf32> to vector<256x64x64xf32>
      %convert_element_type3A_277 = arith.truncf %reshape3A_239 : vector<256x16x64xf32> to vector<256x16x64xbf16>
      %convert_element_type3A_278 = arith.truncf %slice3A : vector<256x64x64xf32> to vector<256x64x64xbf16>
      %dot_general3A_279 = arith.constant dense<0.000000e+00> : vector<256x16x64xf32>
      %dot_general3A_280 = tpu.matmul %convert_element_type3A_277, %convert_element_type3A_278, %dot_general3A_279 {dimension_numbers = #tpu.dot_dimension_numbers<[2], [1], [1], [2], [0, 0, 0, 1, 1, 2], [0], [0]>, transpose_lhs_hint = false} : vector<256x16x64xbf16>, vector<256x64x64xbf16>, vector<256x16x64xf32> -> vector<256x16x64xf32>
      %slice3A_281 = vector.extract_strided_slice %reshape3A_246 {offsets = [0, 64, 0], sizes = [256, 64, 64], strides = [1, 1, 1]} : vector<256x128x64xf32> to vector<256x64x64xf32>
      %convert_element_type3A_282 = arith.truncf %reshape3A_240 : vector<256x16x64xf32> to vector<256x16x64xbf16>
      %convert_element_type3A_283 = arith.truncf %slice3A_281 : vector<256x64x64xf32> to vector<256x64x64xbf16>
      %dot_general3A_284 = arith.constant dense<0.000000e+00> : vector<256x16x64xf32>
      %dot_general3A_285 = tpu.matmul %convert_element_type3A_282, %convert_element_type3A_283, %dot_general3A_284 {dimension_numbers = #tpu.dot_dimension_numbers<[2], [1], [1], [2], [0, 0, 0, 1, 1, 2], [0], [0]>, transpose_lhs_hint = false} : vector<256x16x64xbf16>, vector<256x64x64xbf16>, vector<256x16x64xf32> -> vector<256x16x64xf32>
      %add3A_286 = arith.addf %dot_general3A_280, %dot_general3A_285 : vector<256x16x64xf32>
      %add3A_287 = vector.broadcast %reshape3A_264 : vector<256x1x64xf32> to vector<256x16x64xf32>
      %add3A_288 = arith.addf %add3A_286, %add3A_287 : vector<256x16x64xf32>
      %logistic3A_289 = arith.negf %add3A_288 : vector<256x16x64xf32>
      %logistic3A_290 = math.exp %logistic3A_289 : vector<256x16x64xf32>
      %logistic3A_291 = arith.constant 1.000000e+00 : f32
      %logistic3A_292 = vector.broadcast %logistic3A_291 : f32 to vector<256x16x64xf32>
      %logistic3A_293 = arith.addf %logistic3A_292, %logistic3A_290 : vector<256x16x64xf32>
      %logistic3A_294 = arith.divf %logistic3A_292, %logistic3A_293 : vector<256x16x64xf32>
      %mul3A_295 = arith.mulf %add3A_288, %logistic3A_294 : vector<256x16x64xf32>
      %convert_element_type3A_296 = arith.truncf %mul3A_295 : vector<256x16x64xf32> to vector<256x16x64xbf16>
      %convert_element_type3A_297 = arith.truncf %reshape3A_252 : vector<256x64x64xf32> to vector<256x64x64xbf16>
      %dot_general3A_298 = arith.constant dense<0.000000e+00> : vector<256x16x64xf32>
      %dot_general3A_299 = tpu.matmul %convert_element_type3A_296, %convert_element_type3A_297, %dot_general3A_298 {dimension_numbers = #tpu.dot_dimension_numbers<[2], [1], [1], [2], [0, 0, 0, 1, 1, 2], [0], [0]>, transpose_lhs_hint = false} : vector<256x16x64xbf16>, vector<256x64x64xbf16>, vector<256x16x64xf32> -> vector<256x16x64xf32>
      %add3A_300 = vector.broadcast %reshape3A_270 : vector<256x1x64xf32> to vector<256x16x64xf32>
      %add3A_301 = arith.addf %dot_general3A_299, %add3A_300 : vector<256x16x64xf32>
      %logistic3A_302 = arith.negf %add3A_301 : vector<256x16x64xf32>
      %logistic3A_303 = math.exp %logistic3A_302 : vector<256x16x64xf32>
      %logistic3A_304 = arith.constant 1.000000e+00 : f32
      %logistic3A_305 = vector.broadcast %logistic3A_304 : f32 to vector<256x16x64xf32>
      %logistic3A_306 = arith.addf %logistic3A_305, %logistic3A_303 : vector<256x16x64xf32>
      %logistic3A_307 = arith.divf %logistic3A_305, %logistic3A_306 : vector<256x16x64xf32>
      %mul3A_308 = arith.mulf %add3A_301, %logistic3A_307 : vector<256x16x64xf32>
      %convert_element_type3A_309 = arith.truncf %mul3A_308 : vector<256x16x64xf32> to vector<256x16x64xbf16>
      %convert_element_type3A_310 = arith.truncf %reshape3A_258 : vector<256x64x64xf32> to vector<256x64x64xbf16>
      %dot_general3A_311 = arith.constant dense<0.000000e+00> : vector<256x16x64xf32>
      %dot_general3A_312 = tpu.matmul %convert_element_type3A_309, %convert_element_type3A_310, %dot_general3A_311 {dimension_numbers = #tpu.dot_dimension_numbers<[2], [1], [1], [2], [0, 0, 0, 1, 1, 2], [0], [0]>, transpose_lhs_hint = false} : vector<256x16x64xbf16>, vector<256x64x64xbf16>, vector<256x16x64xf32> -> vector<256x16x64xf32>
      %add3A_313 = vector.broadcast %reshape3A_276 : vector<256x1x64xf32> to vector<256x16x64xf32>
      %add3A_314 = arith.addf %dot_general3A_312, %add3A_313 : vector<256x16x64xf32>
      %reshape3A_315 = vector.shape_cast %add3A_314 : vector<256x16x64xf32> to vector<256x1024xf32>
      %get3A_316 = arith.constant 0 : index
      %get3A_317 = arith.constant 0 : index
      %get3A_318 = vector.load %arg17[%get3A_316, %get3A_317] : memref<512x1024xf32, #tpu.memory_space<vmem>>, vector<512x1024xf32>
      %sub3A = arith.subf %convert_element_type3A_224, %convert_element_type3A_234 : vector<512x256xbf16>
      %convert_element_type3A_319 = arith.truncf %reshape3A_315 : vector<256x1024xf32> to vector<256x1024xbf16>
      %dot_general3A_320 = arith.constant dense<0.000000e+00> : vector<512x1024xf32>
      %dot_general3A_321 = tpu.matmul %sub3A, %convert_element_type3A_319, %dot_general3A_320 {dimension_numbers = #tpu.dot_dimension_numbers<[1], [0], [0], [1], [0, 0, 1, 1], [], []>, transpose_lhs_hint = false} : vector<512x256xbf16>, vector<256x1024xbf16>, vector<512x1024xf32> -> vector<512x1024xf32>
      %add3A_322 = arith.addf %get3A_318, %dot_general3A_321 : vector<512x1024xf32>
      %swap3A_323 = arith.constant 0 : index
      %swap3A_324 = arith.constant 0 : index
      %swap3A_325 = vector.load %arg17[%swap3A_323, %swap3A_324] : memref<512x1024xf32, #tpu.memory_space<vmem>>, vector<512x1024xf32>
      tpu.vector_store %arg17[%swap3A_323, %swap3A_324], %add3A_322 {strides = array<i32>} : memref<512x1024xf32, #tpu.memory_space<vmem>>, vector<512x1024xf32>,
      %add3A_326 = arith.constant 2 : i32
      %add3A_327 = arith.addi %scan3A_170, %add3A_326 : i32
      %lt3A = arith.constant 16 : i32
      %lt3A_328 = arith.cmpi slt, %add3A_327, %lt3A : i32
      %convert_element_type3A_329 = arith.extui %lt3A_328 : i1 to i32
      %cond3A = arith.constant 0 : i32
      %cond3A_330 = arith.cmpi ne, %convert_element_type3A_329, %cond3A : i32
      scf.if %cond3A_330 {
        %add3A_331 = arith.constant 2 : i32
        %add3A_332 = arith.addi %scan3A_170, %add3A_331 : i32
        %mul3A_333 = arith.constant 256 : i32
        %mul3A_334 = arith.muli %add3A_332, %mul3A_333 : i32
        %dma_start3A_335 = arith.constant 0 : i32
        %dma_start3A_336 = tpu.memref_slice %arg21[%dma_start3A_335, %rem3A_171] : memref<3x2x!tpu.dma_semaphore, #tpu.memory_space<semaphore_mem>> -> memref<1x1x!tpu.dma_semaphore, #tpu.memory_space<semaphore_mem>>
        %dma_start3A_337 = tpu.memref_squeeze %dma_start3A_336 : memref<1x1x!tpu.dma_semaphore, #tpu.memory_space<semaphore_mem>> -> memref<!tpu.dma_semaphore, #tpu.memory_space<semaphore_mem>>
        %dma_start3A_338 = arith.constant 0 : i32
        %dma_start3A_339 = arith.constant 0 : i32
        %dma_start3A_340 = tpu.memref_slice %arg18[%rem3A_171, %dma_start3A_338, %dma_start3A_339] : memref<2x256x8192xf32, #tpu.memory_space<vmem>> -> memref<1x256x8192xf32, #tpu.memory_space<vmem>>
        %dma_start3A_341 = tpu.memref_squeeze %dma_start3A_340 : memref<1x256x8192xf32, #tpu.memory_space<vmem>> -> memref<256x8192xf32, #tpu.memory_space<vmem>>
        %dma_start3A_342 = arith.constant 0 : i32
        %dma_start3A_343 = tpu.memref_slice %arg5[%mul3A_334, %dma_start3A_342] : memref<4096x8192xf32, #tpu.memory_space<hbm>> -> memref<256x8192xf32, #tpu.memory_space<hbm>>
        tpu.enqueue_dma source(%dma_start3A_343 : memref<256x8192xf32, #tpu.memory_space<hbm>>) target(%dma_start3A_341 : memref<256x8192xf32, #tpu.memory_space<vmem>>) target_semaphore(%dma_start3A_337 : memref<!tpu.dma_semaphore, #tpu.memory_space<semaphore_mem>>)
        %mul3A_344 = arith.constant 256 : i32
        %mul3A_345 = arith.muli %add3A_332, %mul3A_344 : i32
        %dma_start3A_346 = arith.constant 1 : i32
        %dma_start3A_347 = tpu.memref_slice %arg21[%dma_start3A_346, %rem3A_171] : memref<3x2x!tpu.dma_semaphore, #tpu.memory_space<semaphore_mem>> -> memref<1x1x!tpu.dma_semaphore, #tpu.memory_space<semaphore_mem>>
        %dma_start3A_348 = tpu.memref_squeeze %dma_start3A_347 : memref<1x1x!tpu.dma_semaphore, #tpu.memory_space<semaphore_mem>> -> memref<!tpu.dma_semaphore, #tpu.memory_space<semaphore_mem>>
        %dma_start3A_349 = arith.constant 0 : i32
        %dma_start3A_350 = arith.constant 0 : i32
        %dma_start3A_351 = tpu.memref_slice %arg19[%rem3A_171, %dma_start3A_349, %dma_start3A_350] : memref<2x256x4096xf32, #tpu.memory_space<vmem>> -> memref<1x256x4096xf32, #tpu.memory_space<vmem>>
        %dma_start3A_352 = tpu.memref_squeeze %dma_start3A_351 : memref<1x256x4096xf32, #tpu.memory_space<vmem>> -> memref<256x4096xf32, #tpu.memory_space<vmem>>
        %dma_start3A_353 = arith.constant 0 : i32
        %dma_start3A_354 = tpu.memref_slice %arg6[%mul3A_345, %dma_start3A_353] : memref<4096x4096xf32, #tpu.memory_space<hbm>> -> memref<256x4096xf32, #tpu.memory_space<hbm>>
        tpu.enqueue_dma source(%dma_start3A_354 : memref<256x4096xf32, #tpu.memory_space<hbm>>) target(%dma_start3A_352 : memref<256x4096xf32, #tpu.memory_space<vmem>>) target_semaphore(%dma_start3A_348 : memref<!tpu.dma_semaphore, #tpu.memory_space<semaphore_mem>>)
        %mul3A_355 = arith.constant 256 : i32
        %mul3A_356 = arith.muli %add3A_332, %mul3A_355 : i32
        %dma_start3A_357 = arith.constant 2 : i32
        %dma_start3A_358 = tpu.memref_slice %arg21[%dma_start3A_357, %rem3A_171] : memref<3x2x!tpu.dma_semaphore, #tpu.memory_space<semaphore_mem>> -> memref<1x1x!tpu.dma_semaphore, #tpu.memory_space<semaphore_mem>>
        %dma_start3A_359 = tpu.memref_squeeze %dma_start3A_358 : memref<1x1x!tpu.dma_semaphore, #tpu.memory_space<semaphore_mem>> -> memref<!tpu.dma_semaphore, #tpu.memory_space<semaphore_mem>>
        %dma_start3A_360 = arith.constant 0 : i32
        %dma_start3A_361 = arith.constant 0 : i32
        %dma_start3A_362 = tpu.memref_slice %arg20[%rem3A_171, %dma_start3A_360, %dma_start3A_361] : memref<2x256x4096xf32, #tpu.memory_space<vmem>> -> memref<1x256x4096xf32, #tpu.memory_space<vmem>>
        %dma_start3A_363 = tpu.memref_squeeze %dma_start3A_362 : memref<1x256x4096xf32, #tpu.memory_space<vmem>> -> memref<256x4096xf32, #tpu.memory_space<vmem>>
        %dma_start3A_364 = arith.constant 0 : i32
        %dma_start3A_365 = tpu.memref_slice %arg7[%mul3A_356, %dma_start3A_364] : memref<4096x4096xf32, #tpu.memory_space<hbm>> -> memref<256x4096xf32, #tpu.memory_space<hbm>>
        tpu.enqueue_dma source(%dma_start3A_365 : memref<256x4096xf32, #tpu.memory_space<hbm>>) target(%dma_start3A_363 : memref<256x4096xf32, #tpu.memory_space<vmem>>) target_semaphore(%dma_start3A_359 : memref<!tpu.dma_semaphore, #tpu.memory_space<semaphore_mem>>)
      } else {
      }
    }
    %scan3A_79 = arith.constant 16 : i32
    %get3A_80 = arith.constant 0 : index
    %get3A_81 = memref.load %arg3[%get3A_80] : memref<2xi32, #tpu.memory_space<smem>>
    %get3A_82 = arith.constant 1 : index
    %get3A_83 = memref.load %arg3[%get3A_82] : memref<2xi32, #tpu.memory_space<smem>>
    %iota3A = tpu.iota {dimensions = array<i32: 0>} : vector<512x1xi32>
    %eq3A = vector.broadcast %get3A_81 : i32 to vector<512x1xi32>
    %eq3A_84 = arith.cmpi eq, %iota3A, %eq3A : vector<512x1xi32>
    %convert_element_type3A_85 = arith.extui %eq3A_84 : vector<512x1xi1> to vector<512x1xi32>
    %convert_element_type3A_86 = arith.sitofp %convert_element_type3A_85 : vector<512x1xi32> to vector<512x1xf32>
    %convert_element_type3A_87 = arith.truncf %convert_element_type3A_86 : vector<512x1xf32> to vector<512x1xbf16>
    %eq3A_88 = vector.broadcast %get3A_83 : i32 to vector<512x1xi32>
    %eq3A_89 = arith.cmpi eq, %iota3A, %eq3A_88 : vector<512x1xi32>
    %convert_element_type3A_90 = arith.extui %eq3A_89 : vector<512x1xi1> to vector<512x1xi32>
    %convert_element_type3A_91 = arith.sitofp %convert_element_type3A_90 : vector<512x1xi32> to vector<512x1xf32>
    %convert_element_type3A_92 = arith.truncf %convert_element_type3A_91 : vector<512x1xf32> to vector<512x1xbf16>
    %dot_general3A = arith.constant dense<0.000000e+00> : vector<1x1024xf32>
    %dot_general3A_93 = tpu.matmul %convert_element_type3A_87, %convert_element_type3A, %dot_general3A {dimension_numbers = #tpu.dot_dimension_numbers<[0], [0], [1], [1], [0, 1, 1, 1], [], []>, transpose_lhs_hint = false} : vector<512x1xbf16>, vector<512x1024xbf16>, vector<1x1024xf32> -> vector<1x1024xf32>
    %dot_general3A_94 = arith.constant dense<0.000000e+00> : vector<1x1024xf32>
    %dot_general3A_95 = tpu.matmul %convert_element_type3A_92, %convert_element_type3A, %dot_general3A_94 {dimension_numbers = #tpu.dot_dimension_numbers<[0], [0], [1], [1], [0, 1, 1, 1], [], []>, transpose_lhs_hint = false} : vector<512x1xbf16>, vector<512x1024xbf16>, vector<1x1024xf32> -> vector<1x1024xf32>
    %reshape3A = vector.shape_cast %dot_general3A_93 : vector<1x1024xf32> to vector<1x16x64xf32>
    %reshape3A_96 = vector.shape_cast %dot_general3A_95 : vector<1x1024xf32> to vector<1x16x64xf32>
    %get3A_97 = arith.constant 0 : index
    %get3A_98 = arith.constant 0 : index
    %get3A_99 = arith.constant 0 : index
    %get3A_100 = vector.load %arg11[%get3A_97, %get3A_98, %get3A_99] : memref<1x128x64xf32, #tpu.memory_space<vmem>>, vector<1x64x64xf32>
    %convert_element_type3A_101 = arith.truncf %reshape3A : vector<1x16x64xf32> to vector<1x16x64xbf16>
    %convert_element_type3A_102 = arith.truncf %get3A_100 : vector<1x64x64xf32> to vector<1x64x64xbf16>
    %dot_general3A_103 = arith.constant dense<0.000000e+00> : vector<1x16x64xf32>
    %dot_general3A_104 = tpu.matmul %convert_element_type3A_101, %convert_element_type3A_102, %dot_general3A_103 {dimension_numbers = #tpu.dot_dimension_numbers<[2], [1], [1], [2], [0, 0, 0, 1, 1, 2], [0], [0]>, transpose_lhs_hint = false} : vector<1x16x64xbf16>, vector<1x64x64xbf16>, vector<1x16x64xf32> -> vector<1x16x64xf32>
    %get3A_105 = arith.constant 0 : index
    %get3A_106 = arith.constant 64 : index
    %get3A_107 = arith.constant 0 : index
    %get3A_108 = vector.load %arg11[%get3A_105, %get3A_106, %get3A_107] : memref<1x128x64xf32, #tpu.memory_space<vmem>>, vector<1x64x64xf32>
    %convert_element_type3A_109 = arith.truncf %reshape3A_96 : vector<1x16x64xf32> to vector<1x16x64xbf16>
    %convert_element_type3A_110 = arith.truncf %get3A_108 : vector<1x64x64xf32> to vector<1x64x64xbf16>
    %dot_general3A_111 = arith.constant dense<0.000000e+00> : vector<1x16x64xf32>
    %dot_general3A_112 = tpu.matmul %convert_element_type3A_109, %convert_element_type3A_110, %dot_general3A_111 {dimension_numbers = #tpu.dot_dimension_numbers<[2], [1], [1], [2], [0, 0, 0, 1, 1, 2], [0], [0]>, transpose_lhs_hint = false} : vector<1x16x64xbf16>, vector<1x64x64xbf16>, vector<1x16x64xf32> -> vector<1x16x64xf32>
    %add3A = arith.addf %dot_general3A_104, %dot_general3A_112 : vector<1x16x64xf32>
    %get3A_113 = arith.constant 0 : index
    %get3A_114 = arith.constant 0 : index
    %get3A_115 = arith.constant 0 : index
    %get3A_116 = vector.load %arg14[%get3A_113, %get3A_114, %get3A_115] : memref<1x1x64xf32, #tpu.memory_space<vmem>>, vector<1x1x64xf32>
    %add3A_117 = vector.broadcast %get3A_116 : vector<1x1x64xf32> to vector<1x16x64xf32>
    %add3A_118 = arith.addf %add3A, %add3A_117 : vector<1x16x64xf32>
    %logistic3A = arith.negf %add3A_118 : vector<1x16x64xf32>
    %logistic3A_119 = math.exp %logistic3A : vector<1x16x64xf32>
    %logistic3A_120 = arith.constant 1.000000e+00 : f32
    %logistic3A_121 = vector.broadcast %logistic3A_120 : f32 to vector<1x16x64xf32>
    %logistic3A_122 = arith.addf %logistic3A_121, %logistic3A_119 : vector<1x16x64xf32>
    %logistic3A_123 = arith.divf %logistic3A_121, %logistic3A_122 : vector<1x16x64xf32>
    %mul3A = arith.mulf %add3A_118, %logistic3A_123 : vector<1x16x64xf32>
    %get3A_124 = arith.constant 0 : index
    %get3A_125 = arith.constant 0 : index
    %get3A_126 = arith.constant 0 : index
    %get3A_127 = vector.load %arg12[%get3A_124, %get3A_125, %get3A_126] : memref<1x64x64xf32, #tpu.memory_space<vmem>>, vector<1x64x64xf32>
    %convert_element_type3A_128 = arith.truncf %mul3A : vector<1x16x64xf32> to vector<1x16x64xbf16>
    %convert_element_type3A_129 = arith.truncf %get3A_127 : vector<1x64x64xf32> to vector<1x64x64xbf16>
    %dot_general3A_130 = arith.constant dense<0.000000e+00> : vector<1x16x64xf32>
    %dot_general3A_131 = tpu.matmul %convert_element_type3A_128, %convert_element_type3A_129, %dot_general3A_130 {dimension_numbers = #tpu.dot_dimension_numbers<[2], [1], [1], [2], [0, 0, 0, 1, 1, 2], [0], [0]>, transpose_lhs_hint = false} : vector<1x16x64xbf16>, vector<1x64x64xbf16>, vector<1x16x64xf32> -> vector<1x16x64xf32>
    %get3A_132 = arith.constant 0 : index
    %get3A_133 = arith.constant 0 : index
    %get3A_134 = arith.constant 0 : index
    %get3A_135 = vector.load %arg15[%get3A_132, %get3A_133, %get3A_134] : memref<1x1x64xf32, #tpu.memory_space<vmem>>, vector<1x1x64xf32>
    %add3A_136 = vector.broadcast %get3A_135 : vector<1x1x64xf32> to vector<1x16x64xf32>
    %add3A_137 = arith.addf %dot_general3A_131, %add3A_136 : vector<1x16x64xf32>
    %logistic3A_138 = arith.negf %add3A_137 : vector<1x16x64xf32>
    %logistic3A_139 = math.exp %logistic3A_138 : vector<1x16x64xf32>
    %logistic3A_140 = arith.constant 1.000000e+00 : f32
    %logistic3A_141 = vector.broadcast %logistic3A_140 : f32 to vector<1x16x64xf32>
    %logistic3A_142 = arith.addf %logistic3A_141, %logistic3A_139 : vector<1x16x64xf32>
    %logistic3A_143 = arith.divf %logistic3A_141, %logistic3A_142 : vector<1x16x64xf32>
    %mul3A_144 = arith.mulf %add3A_137, %logistic3A_143 : vector<1x16x64xf32>
    %get3A_145 = arith.constant 0 : index
    %get3A_146 = arith.constant 0 : index
    %get3A_147 = arith.constant 0 : index
    %get3A_148 = vector.load %arg13[%get3A_145, %get3A_146, %get3A_147] : memref<1x64x64xf32, #tpu.memory_space<vmem>>, vector<1x64x64xf32>
    %convert_element_type3A_149 = arith.truncf %mul3A_144 : vector<1x16x64xf32> to vector<1x16x64xbf16>
    %convert_element_type3A_150 = arith.truncf %get3A_148 : vector<1x64x64xf32> to vector<1x64x64xbf16>
    %dot_general3A_151 = arith.constant dense<0.000000e+00> : vector<1x16x64xf32>
    %dot_general3A_152 = tpu.matmul %convert_element_type3A_149, %convert_element_type3A_150, %dot_general3A_151 {dimension_numbers = #tpu.dot_dimension_numbers<[2], [1], [1], [2], [0, 0, 0, 1, 1, 2], [0], [0]>, transpose_lhs_hint = false} : vector<1x16x64xbf16>, vector<1x64x64xbf16>, vector<1x16x64xf32> -> vector<1x16x64xf32>
    %get3A_153 = arith.constant 0 : index
    %get3A_154 = arith.constant 0 : index
    %get3A_155 = arith.constant 0 : index
    %get3A_156 = vector.load %arg16[%get3A_153, %get3A_154, %get3A_155] : memref<1x1x64xf32, #tpu.memory_space<vmem>>, vector<1x1x64xf32>
    %add3A_157 = vector.broadcast %get3A_156 : vector<1x1x64xf32> to vector<1x16x64xf32>
    %add3A_158 = arith.addf %dot_general3A_152, %add3A_157 : vector<1x16x64xf32>
    %reshape3A_159 = vector.shape_cast %add3A_158 : vector<1x16x64xf32> to vector<1x1024xf32>
    %get3A_160 = arith.constant 0 : index
    %get3A_161 = arith.constant 0 : index
    %get3A_162 = vector.load %arg17[%get3A_160, %get3A_161] : memref<512x1024xf32, #tpu.memory_space<vmem>>, vector<512x1024xf32>
    %convert_element_type3A_163 = arith.truncf %reshape3A_159 : vector<1x1024xf32> to vector<1x1024xbf16>
    %dot_general3A_164 = arith.constant dense<0.000000e+00> : vector<512x1024xf32>
    %dot_general3A_165 = tpu.matmul %convert_element_type3A_87, %convert_element_type3A_163, %dot_general3A_164 {dimension_numbers = #tpu.dot_dimension_numbers<[1], [0], [0], [1], [0, 0, 1, 1], [], []>, transpose_lhs_hint = false} : vector<512x1xbf16>, vector<1x1024xbf16>, vector<512x1024xf32> -> vector<512x1024xf32>
    %add3A_166 = arith.addf %get3A_162, %dot_general3A_165 : vector<512x1024xf32>
    %swap3A_167 = arith.constant 0 : index
    %swap3A_168 = arith.constant 0 : index
    %swap3A_169 = vector.load %arg17[%swap3A_167, %swap3A_168] : memref<512x1024xf32, #tpu.memory_space<vmem>>, vector<512x1024xf32>
    tpu.vector_store %arg17[%swap3A_167, %swap3A_168], %add3A_166 {strides = array<i32>} : memref<512x1024xf32, #tpu.memory_space<vmem>>, vector<512x1024xf32>,
    return
  }
}

</mosaic_0001>

<sc_bundles>
// kernel: sparse-core-data-format-call.cloned.1.call-start
scs
called_computation_lowered:
.L_overlay_start_0:
0x0: {  	s2 =	sld [smem:$0x3FD9]  }
0x1: {  	s3 =	sld [smem:$0x3FFE];
	_ =	sdelay $0x1  }
0x2: {  	s1 =	srdreg.scid  }
0x3: {  	s0 =	sand.u32 $0x1, s1  }
0x4: {  	s18 =	sshll.u32 s0, $0xA;
	s2 =	sadd.s32 s3, s2  }
0x5: {  	s2 =	sadd.s32 s2, s18  }
0x6: {  	[smem:$0x3FB9] =	sst s2  }
0x7: {  	_ = 	snop  }
0x8: {  	s2 =	sld [smem:$0x3FC6];
	(tm) =	ssettm $0x1  }
0x9: {  	s19 =	sld [smem:$0x3FFB];
	_ =	sdelay $0x3  }
0xa: {  	_ =	strace s19  }
0xb: {  	s3 =	sld [smem:$0x3FFC];
	_ =	sdelay $0x3  }
0xc: {  	_ =	strace s3  }
0xd: {  	s3 =	sld [smem:$0x3FFD];
	_ =	sdelay $0x3  }
0xe: {  	_ =	strace s3  }
0xf: {  	_ =	strace $0x8FFFFFFF  }
0x10: {  	s20 =	sld [smem:$0x3FDB];
	_ =	sdelay $0x1  }
0x11: {  	s4 =	simm.s32 $_scs_section_size  }
0x12: {  	s5 =	simm.s32 $_size__tile_overlayer_lowered;
	s6 =	simm.s32 $_tile_overlayer_lowered  }
0x13: {  	s23 =	simm.s32 $0x1BFF;
	s22 =	sshll.u32 s6, $0x1;
	s3 =	sadd.s32 s4, s20  }
0x14: {  	s7 =	simm.s32 $0x0;
	s21 =	sshll.u32 s5, $0x1;
	s5 =	sadd.s32 s22, s3  }
0x15: {  	[timem:s7], [sflag:s23] =	dma.local [hbm:s5], s21  }
0x16: {  	_ =	swait.ge [sflag:s23], s21  }
0x17: {  	s4 =	ssub.s32 $0x0, s21;
	[sflag:s23] =	ssyncset.done $0x0  }
0x18: {  	[sflag:s23] =	ssyncadd.s32 s4;
	_ =	sdelay $0x1  }
0x19: {  	s24 =	simm.s32 $0x1B8B  }
0x1a: {  	_ =	swait.ge [sflag:s24], $0x1  }
0x1b: {  	[sflag:s24] =	ssyncset.done $0x0  }
0x1c: {  	s26 =	simm.s32 $0x1B8E;
	s25 =	sld [smem:$0x3FFE];
	[sflag:s24] =	ssyncadd.s32 $0xFFFFFFFF  }
0x1d: {  	s27 =	simm.s32 $execute0_lowered;
	[smem:$0x3FD2] =	sst s26  }
0x1e: {  	s5 =	sshll.u32 s27, $0x1;
	_ =	strace $0x80000046;
	[dreg:$0x1] =	wrdreg $0xFFFFFFFF  }
0x1f: {  	s28 =	simm.s32 $_size_execute0_lowered;
	s3 =	sadd.s32 s3, s5;
	[dreg:$0x0] =	wrdreg $0x0  }
0x20: {  	s5 =	sshll.u32 s28, $0x1;
	[dreg:$0x2] =	wrdreg s3  }
0x21: {  	[dreg:$0x3] =	wrdreg s5  }
0x22: {  	[dreg:$0x4] =	wrdreg $0xC0  }
0x23: {  	_ =	task [dreg:s7], $0x5FFFF  }
0x24: {  	[dreg:$0x1] =	wrdreg $0xFFFFFFFF  }
0x25: {  	[dreg:$0x0] =	wrdreg $0x60  }
0x26: {  	[dreg:$0x2] =	wrdreg s2  }
0x27: {  	[dreg:$0x3] =	wrdreg s25  }
0x28: {  	[dreg:$0x4] =	wrdreg $0x9  }
0x29: {  	_ =	task.clear_ibuf [dreg:s7], $0x5FFFF;
	_ =	strace $0x90000046  }
0x2a: {  	s29 =	simm.s32 $0x9;
	_ =	strace $0x80000048  }
0x2b: {  	_ =	swait.ge [sflag:s29], $0x1  }
0x2c: {  	[sflag:s29] =	ssyncadd.s32 $0xFFFFFFFF  }
0x2d: {  	_ =	strace $0x90000048  }
0x2e: {  	_ =	sfence  }
0x2f: {  	s30 =	sld [smem:$0x0];
	_ =	sdelay $0x2  }
0x30: {  	s31 =	sshll.u32 s1, $0xD;
	s1 =	sshrl.u32 s1, $0x2  }
0x31: {  	s3 =	sand.u32 $0x4000, s31;
	s1 =	sadd.s32 s1, s30  }
0x32: {  	s0 =	sor.u32 s3, s0;
	s1 =	sshll.u32 s1, $0x11  }
0x33: {  	s0 =	sor.u32 s1, s0  }
0x34: {  	s0 =	sadd.s32 $0x8F2B, s0  }
0x35: {  	[sflag:s0] =	ssyncadd.remote.s32 $0x1  }
0x36: {  	_ =	sfence.sel $0xFFFF  }
0x37: {  	[dreg:$0x0] =	wrdreg $0xFFFFFFFF;
	(pc) =	sbr.abs _section_cstart, $3  }
0x38: {  	[dreg:$0x1] =	wrdreg $0xFFFFFFFF  }
0x39: {  	_ =	task.clear_ibuf [dreg:s7], $0x2FFFF;
	_ =	strace $0x9FFFFFFF  }
0x3a: {  	(tm) =	ssettm $0x7FFFFFFF  }
0x3b: {  	_ =	shalt  }
tec
execute0_lowered:
.L_overlay_start_1:
0x0: {  	(tag) =	ssettag $0x1  }
0x1: {  	s0 =	srdreg.scid  }
0x2: {  	s1 =	sshll.u32 s0, $0x4  }
0x3: {  	s3 =	rddreg [dreg:$0x0];
	s0 =	stileid.u32;
	s1 =	sand.u32 $0x10, s1  }
0x4: {  	s6 =	rddreg [dreg:$0x1];
	s5 =	simm.s32 $0x1;
	s1 =	sor.u32 s0, s1  }
0x5: {  	s31 =	simm.s32 $0x2;
	s13 =	simm.s32 $0x0;
	s2 =	sshll.u32 s1, $0x7  }
0x6: {  	s8 =	simm.s32 $0x40000;
	s12 =	simm.s32 $0x0;
	s4 =	ssub.s32 $0x1000, s2  }
0x7: {  	s9 =	simm.s32 $0x0;
	s11 =	simm.s32 $0x0;
	s30 =	sand.u32 $0xF80, s4  }
.Ltmp0:
0x8: {  	s6 =	sadd.s32 $0x1200, s6;
	p0 =	sne.s32 s30, $0x0;
	(pc) =	sbr.rel .LBB1_1-.Ltmp0, $4  }
0x9: {  	s1 =	rddreg [dreg:$0x2];
	s7 =	sshrl.u32 s4, $0xC;
	s5 =	simm.s32 @!p0 $0x0  }
0xa: {  	_ =	strace $0x80000047;
	s4 =	simm.s32 $0x1;
	s5 =	sadd.s32 s5, s7  }
0xb: {  	s10 =	smov.u32 s2;
	[sflag:s4] =	ssyncpa.u1 $0x0;
	s5 =	sshll.u32 s5, $0x6  }
0xc: {  	[sflag:s31] =	ssyncpa.u1 $0x0;
	p0 =	por $0x0, $0x0;
	s7 =	sor.u32 $0x1, s5  }
.LBB1_4:
0xd: {  	v5 =	vld [tilespmem:s16+$0xFFFFFFD0];
	[tilespmem:s17+$0x2040 ss:$0x81] =	vst.msk $0xffff, v1  }
0xe: {  	v58 =	vld [tilespmem:s16+$0xFFFFFFE0];
	[tilespmem:s17+$0x2850 ss:$0x81] =	vst.msk $0xffff, v2  }
0xf: {  	s18 =	sshra.s32 s18, $0x2;
	v59 =	vld [tilespmem:s16+$0xFFFFFFF0];
	[tilespmem:s17+$0x3060 ss:$0x81] =	vst.msk $0xffff, v3  }
0x10: {  	v60 =	vld [tilespmem:s16+$0x0];
	[tilespmem:s17+$0x0 ss:$0x81] =	vst.msk $0xffff, v0;
	s15 =	sadd.s32 s18, s15  }
0x11: {  	v61 =	vld [tilespmem:s16+$0x10];
	s26 =	sshll.u32 s13, $0xC;
	[tilespmem:s15+$0x3870 ss:$0x81] =	vst.msk $0xffff, v4  }
0x12: {  	v62 =	vld [tilespmem:s16+$0x20];
	s27 =	sand.u32 $0x78, s12;
	s19 =	sshll.u32 s12, $0x3;
	s29 =	sshll.u32 s13, $0x7;
	[tilespmem:s15+$0x810 ss:$0x81] =	vst.msk $0xffff, v5  }
0x13: {  	v63 =	vld [tilespmem:s16+$0xFFFFFFC0];
	s17 =	sand.u32 $0x38000, s26;
	s28 =	sand.u32 $0x3FC00, s19;
	s19 =	sand.u32 $0xC00, s19;
	[tilespmem:s15+$0x1020 ss:$0x81] =	vst.msk $0xffff, v58  }
0x14: {  	s13 =	sand.u32 $0x380, s29;
	s16 =	sadd.s32 s28, s17;
	s30 =	sor.u32 s27, s19;
	[tilespmem:s15+$0x1830 ss:$0x81] =	vst.msk $0xffff, v59  }
0x15: {  	s16 =	sand.u32 $0x3F000, s16;
	s13 =	sor.u32 s13, s30;
	[tilespmem:s15+$0x2040 ss:$0x81] =	vst.msk $0xffff, v60  }
0x16: {  	s31 =	sand.u32 $0x7, s12;
	s13 =	sor.u32 s16, s13;
	[tilespmem:s15+$0x2850 ss:$0x81] =	vst.msk $0xffff, v61  }
0x17: {  	s12 =	sshll.u32 s31, $0x12;
	[tilespmem:s15+$0x3060 ss:$0x81] =	vst.msk $0xffff, v62;
	s13 =	sshrl.u32 s13, $0x3  }
0x18: {  	s12 =	sor.u32 $0x80, s12;
	[tilespmem:s15+$0x0 ss:$0x81] =	vst.msk $0xffff, v63;
	s13 =	sadd.s32 s6, s13  }
0x19: {  	[hbm4b:s13+s12] =	stream.strided.scatter [tilespmem:s14], [sflag:$0x2], $0x4000, s8, s12, $0x20;
	[tilespmem:$0x10100] =	vst v63  }
.LBB1_5:
0x1a: {  	s14 =	sadd.s32 $0x1, s9  }
0x1b: {  	s12 =	sadd.s32 $0x1000, s10;
	s16 =	smov.u32 s10;
	p2 =	sgt.s32 s14, $0x3F  }
0x1c: {  	s16 =	smov.u32 @p2 s12  }
0x1d: {  	s14 =	simm.s32 @p2 $0x0;
	p2 =	sgt.s32 s16, $0xFFF  }
0x1e: {  	s16 =	smov.u32 @p2 s2;
	p2 =	sne.s32 s11, s7  }
.Ltmp1:
0x1f: {  	p1 =	slt.u32 s11, $0x2;
	(pc) =	sbr.rel @!p2 .LBB1_6-.Ltmp1, $4  }
0x20: {  	s15 =	simm.s32 @!p1 $0x2  }
0x21: {  	s13 =	smov.u32 s9;
	p0 =	por !p0, !p0;
	_ =	swait.ge @!p1 [sflag:s15], $0x4000  }
0x22: {  	s12 =	smov.u32 s10;
	[sflag:s15] =	ssyncset.done @!p1 $0x0;
	s9 =	smov.u32 s14  }
0x23: {  	s11 =	sadd.s32 $0x1, s11;
	[sflag:s15] =	ssyncadd.s32 @!p1 $0xFFFFC000;
	s10 =	smov.u32 s16  }
.LBB1_1:
0x24: {  	p1 =	sge.u32 s11, s5  }
0x25: {  	s31 =	sadd.s32 $0xFFFFFFFF, s11;
	s14 =	sxor.u32 @!p1 $0xFFFFFFFF, s11  }
0x26: {  	s15 =	sshll.u32 @!p1 s10, $0xA;
	s16 =	sshll.u32 @!p1 s9, $0x4;
	s17 =	simm.s32 @!p1 $0x2000  }
0x27: {  	s14 =	sshll.u32 @!p1 s14, $0xE;
	s16 =	sand.u32 @!p1 $0x3F0, s16;
	s15 =	sadd.s32 @!p1 s3, s15  }
0x28: {  	s14 =	sand.u32 @!p1 $0x4000, s14;
	s15 =	sadd.s32 @!p1 s16, s15;
	s16 =	simm.s32 @!p1 $0x80  }
0x29: {  	[tilespmem:s14], [sflag:$0x1] =	stream.strided.gather @!p1 [hbm4b:s15+s16], $0x4000, s17, s16, $0x38;
	[tilespmem:$0x10100] =	vst v63  }
0x2a: {  	p1 =	sge.u32 s31, s5  }
.Ltmp2:
0x2b: {  	_ = 	snop;
	(pc) =	sbr.rel @p1 .LBB1_5-.Ltmp2, $1  }
0x2c: {  	_ =	sdelay $0x3  }
0x2d: {  	s14 =	simm.s32 $0x1  }
0x2e: {  	_ =	swait.ge [sflag:s4], $0x4000;
	s14 =	simm.s32 @!p0 $0x0  }
0x2f: {  	[sflag:s4] =	ssyncset.done $0x0;
	s15 =	sshll.u32 s14, $0xE  }
0x30: {  	[sflag:s4] =	ssyncadd.s32 $0xFFFFC000;
	s16 =	sor.u32 $0x40, s15  }
0x31: {  	s14 =	smul.u32 $0x10200, s14;
	v0 =	vld [tilespmem:s16+$0x30]  }
0x32: {  	v3 =	vld [tilespmem:s16+$0xFFFFFFD0]  }
0x33: {  	s14 =	sshrl.u32 s14, $0x2;
	v4 =	vld [tilespmem:s16+$0xFFFFFFE0]  }
0x34: {  	v5 =	vld [tilespmem:s16+$0xFFFFFFF0];
	s15 =	sor.u32 $0x8000, s14  }
0x35: {  	s31 =	sand.u32 $0x1, s11;
	v1 =	vld [tilespmem:s16+$0x0];
	s17 =	sadd.s32 $0x0, s15  }
0x36: {  	v2 =	vld [tilespmem:s16+$0x10];
	s14 =	smul.u32 $0x10200, s31;
	[tilespmem:s17+$0x3870 ss:$0x81] =	vst.msk $0xffff, v0  }
0x37: {  	[tilespmem:s17+$0x810 ss:$0x81] =	vst.msk $0xffff, v3;
	v3 =	vld [tilespmem:s16+$0x20]  }
0x38: {  	s14 =	sshrl.u32 s14, $0x2;
	v0 =	vld [tilespmem:s16+$0xFFFFFFC0];
	[tilespmem:s17+$0x1020 ss:$0x81] =	vst.msk $0xffff, v4;
	s16 =	sadd.s32 $0x80, s16  }
0x39: {  	s18 =	simm.s32 $0x4;
	s19 =	simm.s32 $0x8;
	s14 =	sor.u32 $0x8000, s14;
	[tilespmem:s17+$0x1830 ss:$0x81] =	vst.msk $0xffff, v5;
	v4 =	vld [tilespmem:s16+$0x30]  }
.LBB1_3:
0x3a: {  	p1 =	sne.s32 s19, $0x1FC;
	v5 =	vld [tilespmem:s16+$0xFFFFFFD0];
	[tilespmem:s17+$0x2040 ss:$0x81] =	vst.msk $0xffff, v1  }
0x3b: {  	v6 =	vld [tilespmem:s16+$0xFFFFFFE0];
	[tilespmem:s17+$0x2850 ss:$0x81] =	vst.msk $0xffff, v2  }
0x3c: {  	s20 =	sshra.s32 s18, $0x2;
	s18 =	smov.u32 s19;
	v7 =	vld [tilespmem:s16+$0xFFFFFFF0];
	[tilespmem:s17+$0x3060 ss:$0x81] =	vst.msk $0xffff, v3  }
.Ltmp3:
0x3d: {  	v1 =	vld [tilespmem:s16+$0x0];
	[tilespmem:s17+$0x0 ss:$0x81] =	vst.msk $0xffff, v0;
	s17 =	sadd.s32 s20, s15;
	(pc) =	sbr.rel @p1 .LBB1_3-.Ltmp3, $4  }
0x3e: {  	v2 =	vld [tilespmem:s16+$0x10];
	[tilespmem:s17+$0x3870 ss:$0x81] =	vst.msk $0xffff, v4  }
0x3f: {  	[tilespmem:s17+$0x810 ss:$0x81] =	vst.msk $0xffff, v5;
	v3 =	vld [tilespmem:s16+$0x20]  }
0x40: {  	v0 =	vld [tilespmem:s16+$0xFFFFFFC0];
	[tilespmem:s17+$0x1020 ss:$0x81] =	vst.msk $0xffff, v6;
	s16 =	sadd.s32 $0x80, s16  }
0x41: {  	s19 =	sadd.s32 $0x4, s19;
	v4 =	vld [tilespmem:s16+$0x30];
	[tilespmem:s17+$0x1830 ss:$0x81] =	vst.msk $0xffff, v7  }
.Ltmp4:
0x42: {  	_ = 	snop;
	(pc) =	sbr.rel .LBB1_4-.Ltmp4, $1  }
0x43: {  	_ =	sdelay $0x3  }
.LBB1_6:
0x44: {  	_ =	sfence.sel $0x180000  }
0x45: {  	s2 =	simm.s32 $0x1;
	[bflag:$0x0] =	sbarrier.arrive $0xFFFF  }
0x46: {  	s31 =	simm.s32 $0x2;
	[sflag:s2] =	ssyncpa.u1 $0x1  }
0x47: {  	[sflag:s31] =	ssyncpa.u1 $0x1  }
0x48: {  	p0 =	sne.s32 s0, $0x0;
	_ =	strace $0x90000047  }
0x49: {  	s0 =	sadd.s32 @!p0 $0x100000, s1;
	[bflag:$0x2] =	sbarrier.arrive $0xFFFF  }
0x4a: {  	[sflag:s0] =	ssyncadd.tile.s32 @!p0 $0x1;
	_ =	shalt  }
.Lfunc_end1:
_tile_overlayer_lowered:
.L_overlay_start_2:
0x4b: {  	(tag) =	ssettag $0x2  }
0x4c: {  	s0 =	rddreg [dreg:$0x0];
	s2 =	stileid.u32  }
0x4d: {  	s1 =	rddreg [dreg:$0x1];
	p0 =	sne.s32 s2, $0x0  }
0x4e: {  	s3 =	rddreg [dreg:$0x2];
	[bflag:$0x3] =	sbarrier.arrive $0xFFFF;
	s2 =	simm.s32 @!p0 $0x1C01  }
0x4f: {  	[timem:s3], [sflag:s2] =	dma.local @!p0 [hbm:s0], s1  }
0x50: {  	s0 =	simm.s32 @!p0 $0x1  }
0x51: {  	_ =	swait.ge @!p0 [sflag:s0], s1  }
0x52: {  	s1 =	ssub.s32 @!p0 $0x0, s1;
	[sflag:s0] =	ssyncset.done @!p0 $0x0  }
0x53: {  	[sflag:s0] =	ssyncadd.s32 @!p0 s1  }
0x54: {  	[bflag:$0x3] =	sbarrier.arrive $0xFFFF  }
0x55: {  	_ =	shalt  }

</sc_bundles>
